<compile_context>
chip_gen: v7x
topology: tpu7x:2x2x1
jax: 0.10.2.dev20260603
libtpu: 0.0.44.dev20260713+nightly
codegen_flags: <defaults>
</compile_context>

<pallas_src>
import functools

import jax
import jax.numpy as jnp
from jax import lax
from jax.experimental import pallas as pl
from jax.experimental.pallas import tpu as pltpu
from jax.experimental.pallas import tpu_sc as plsc

_NE = 1024
_D = 64
_P = 1024
_B = 16
_BETA = 0.25
_S = float(2 ** 29)

_NW = 32
_BPW = (_B * _P) // _NW
_CH = 128
_NCH = _BPW // _CH


def _vq_tc_body(ze_ref, embt_ref, idx_ref, loss_ref):
    b = pl.program_id(0)
    ze = ze_ref[0]
    embt = embt_ref[...]
    es = jnp.sum(embt * embt, axis=0, keepdims=True)
    zs = jnp.sum(ze * ze, axis=1, keepdims=True)
    ze2 = ze + ze
    m2 = jnp.dot(ze2, embt, preferred_element_type=jnp.float32)
    d = (zs + es) - m2
    minv = jnp.min(d, axis=1, keepdims=True)
    e = d - minv
    iota_row = lax.broadcasted_iota(
        jnp.int32, (1, _NE), 1).astype(jnp.float32)
    key = e * jnp.float32(_S) + iota_row
    keymin = jnp.min(key, axis=1, keepdims=True)
    idx_ref[0] = keymin.astype(jnp.int32).reshape(1, _P)
    part = jnp.sum(minv).reshape(1, 1)

    @pl.when(b == 0)
    def _():
        loss_ref[...] = part

    @pl.when(b != 0)
    def _():
        loss_ref[...] = loss_ref[...] + part

    @pl.when(b == _B - 1)
    def _():
        ms = loss_ref[...] * jnp.float32(1.0 / (_B * _P * _D))
        loss_ref[...] = ms + jnp.float32(_BETA) * ms


def _sc_gather_body(emb_hbm, idx_hbm, out_hbm, idx_v, rows_v, sem):
    wid = lax.axis_index("s") * 2 + lax.axis_index("c")
    base = wid * _BPW
    pltpu.sync_copy(idx_hbm.at[pl.ds(wid * _NCH, _NCH)], idx_v)
    copies = [
        pltpu.async_copy(
            emb_hbm.at[idx_v.at[j]],
            rows_v.at[pl.ds(j * _CH, _CH)],
            sem,
        )
        for j in range(_NCH)
    ]
    for c in copies:
        c.wait()
    pltpu.sync_copy(rows_v, out_hbm.at[pl.ds(base, _BPW)])


def kernel(ze, embedding):
    B, L, H, W = ze.shape
    ze_r = jnp.transpose(ze, (0, 2, 3, 1)).reshape(B, H * W, L)
    embt = embedding.T

    idx, loss_sum = pl.pallas_call(
        _vq_tc_body,
        grid=(B,),
        in_specs=[
            pl.BlockSpec((1, _P, _D), lambda b: (b, 0, 0)),
            pl.BlockSpec((_D, _NE), lambda b: (0, 0)),
        ],
        out_specs=[
            pl.BlockSpec((1, 1, _P), lambda b: (b, 0, 0)),
            pl.BlockSpec((1, 1), lambda b: (0, 0)),
        ],
        out_shape=[
            jax.ShapeDtypeStruct((B, 1, _P), jnp.int32),
            jax.ShapeDtypeStruct((1, 1), jnp.float32),
        ],
    )(ze_r, embt)

    idx2d = idx.reshape(_NW * _NCH, _CH)

    sc_gather = functools.partial(
        pl.kernel,
        mesh=plsc.VectorSubcoreMesh(core_axis_name="c", subcore_axis_name="s"),
        compiler_params=pltpu.CompilerParams(use_tc_tiling_on_sc=False),
        out_type=jax.ShapeDtypeStruct((B * _P, _D), jnp.float32),
        scratch_types=[
            pltpu.VMEM((_NCH, _CH), jnp.int32),
            pltpu.VMEM((_BPW, _D), jnp.float32),
            pltpu.SemaphoreType.DMA,
        ],
    )(_sc_gather_body)

    zq = sc_gather(embedding, idx2d)

    z_q_st = jnp.transpose(zq.reshape(B, H, W, L), (0, 3, 1, 2))
    loss = loss_sum.reshape(())
    min_idx = idx.reshape(-1, 1)
    return (z_q_st, loss, min_idx)

# --- scband reference (transcript-rebuilt; emitter-appended) ---
"""Pipeline reference for scband-quantizer-10033043603468 (READ-ONLY COPY).

The authoritative reference and input builder live on the scoring server;
editing this copy changes nothing except your own understanding.
"""

import jax, jax.numpy as jnp
import numpy as np

NUM_EMBEDDINGS = 1024
EMBEDDING_DIM = 64
BETA = 0.25

def setup_inputs(seed: int = 0):
    key = jax.random.key(seed)
    k1, k2 = jax.random.split(key)
    ze = jax.random.normal(k1, (16, 64, 32, 32), dtype=jnp.float32)
    embedding = (jax.random.uniform(k2, (NUM_EMBEDDINGS, EMBEDDING_DIM), dtype=jnp.float32) * 2.0 - 1.0) / NUM_EMBEDDINGS
    return {"ze": ze, "embedding": embedding}

def reference(ze, embedding):
    B, L, H, W = ze.shape
    ze_flat = jnp.transpose(ze, (0, 2, 3, 1)).reshape(-1, L)
    d = jnp.sum(ze_flat ** 2, axis=1, keepdims=True) + jnp.sum(embedding ** 2, axis=1) - 2.0 * (ze_flat @ embedding.T)
    min_idx = jnp.argmin(d, axis=1)
    min_encodings = jax.nn.one_hot(min_idx, NUM_EMBEDDINGS, dtype=ze.dtype)
    z_q = jnp.transpose((min_encodings @ embedding).reshape(B, H, W, L), (0, 3, 1, 2))
    loss = jnp.mean((jax.lax.stop_gradient(z_q) - ze) ** 2) + BETA * jnp.mean((z_q - jax.lax.stop_gradient(ze)) ** 2)
    z_q_st = ze + jax.lax.stop_gradient(z_q - ze)
    e_mean = jnp.mean(min_encodings, axis=0)
    perplexity = jnp.exp(-jnp.sum(e_mean * jnp.log(e_mean + 1e-10)))
    return (z_q_st, loss, min_idx.reshape(-1, 1))

if __name__ == "__main__":
    import jax
    _d = setup_inputs()
    print(jax.jit(kernel)(*tuple(_d.values())))

</pallas_src>

<mosaic_0001>
#map = affine_map<(d0, d1) -> (0, 0)>
module attributes {stable_mosaic.version = 14 : i64} {
  func.func @_sc_gather_body(%arg0: i32, %arg1: i32, %arg2: memref<1024x64xf32, #tpu.memory_space<hbm>>, %arg3: memref<128x128xi32, #tpu.memory_space<hbm>>, %arg4: memref<16384x64xf32, #tpu.memory_space<hbm>>, %arg5: memref<4x128xi32, #tpu.memory_space<vmem>>, %arg6: memref<512x64xf32, #tpu.memory_space<vmem>>, %arg7: memref<!tpu.dma_semaphore, #tpu.memory_space<semaphore_mem>>) attributes {dimension_semantics = [#tpu.dimension_semantics<core_parallel>, #tpu.dimension_semantics<subcore_parallel>], iteration_bounds = array<i64: 2, 16>, scalar_prefetch = 0 : i64, scratch_operands = 3 : i64, tpu.core_type = #tpu.core_type<sc_vector_subcore>, window_params = [{transform_indices = #map}, {transform_indices = #map}, {transform_indices = #map}]} {
    %mul3A = arith.constant 2 : i32
    %mul3A_0 = arith.muli %arg1, %mul3A : i32
    %add3A = arith.addi %mul3A_0, %arg0 : i32
    %mul3A_1 = arith.constant 512 : i32
    %mul3A_2 = arith.muli %add3A, %mul3A_1 : i32
    %mul3A_3 = arith.constant 4 : i32
    %mul3A_4 = arith.muli %add3A, %mul3A_3 : i32
    "tpu.region"() ({
      %run_scoped3A = tpu.sem_alloc : memref<!tpu.dma_semaphore, #tpu.memory_space<semaphore_mem>>
      %dma_start3A_83 = arith.constant 0 : i32
      %dma_start3A_84 = tpu.memref_slice %arg3[%mul3A_4, %dma_start3A_83] : memref<128x128xi32, #tpu.memory_space<hbm>> -> memref<4x128xi32, #tpu.memory_space<hbm>>
      %dma_start3A_85 = arith.constant 0 : i32
      %dma_start3A_86 = tpu.memref_slice %arg3[%mul3A_4, %dma_start3A_85] : memref<128x128xi32, #tpu.memory_space<hbm>> -> memref<4x128xi32, #tpu.memory_space<hbm>>
      tpu.enqueue_dma source(%dma_start3A_86 : memref<4x128xi32, #tpu.memory_space<hbm>>) target(%arg5 : memref<4x128xi32, #tpu.memory_space<vmem>>) target_semaphore(%run_scoped3A : memref<!tpu.dma_semaphore, #tpu.memory_space<semaphore_mem>>)
      %dma_wait3A_87 = arith.constant 0 : i32
      %dma_wait3A_88 = tpu.memref_slice %arg3[%mul3A_4, %dma_wait3A_87] : memref<128x128xi32, #tpu.memory_space<hbm>> -> memref<4x128xi32, #tpu.memory_space<hbm>>
      %dma_wait3A_89 = arith.constant 0 : i32
      %dma_wait3A_90 = tpu.memref_slice %arg3[%mul3A_4, %dma_wait3A_89] : memref<128x128xi32, #tpu.memory_space<hbm>> -> memref<4x128xi32, #tpu.memory_space<hbm>>
      tpu.wait_dma2 semaphore(%run_scoped3A : memref<!tpu.dma_semaphore, #tpu.memory_space<semaphore_mem>>) src(%dma_wait3A_90 : memref<4x128xi32, #tpu.memory_space<hbm>>) dst(%arg5 : memref<4x128xi32, #tpu.memory_space<vmem>>)
      tpu.yield
    }) : () -> ()
    %dma_start3A = arith.constant 0 : i32
    %dma_start3A_5 = arith.constant 0 : i32
    %dma_start3A_6 = arith.constant 0 : i32
    %dma_start3A_7 = tpu.memref_slice %arg6[%dma_start3A_5, %dma_start3A_6] : memref<512x64xf32, #tpu.memory_space<vmem>> -> memref<128x64xf32, #tpu.memory_space<vmem>>
    %dma_start3A_8 = arith.constant 0 : i32
    %dma_start3A_9 = tpu.memref_slice %arg5[%dma_start3A, %dma_start3A_8] : memref<4x128xi32, #tpu.memory_space<vmem>> -> memref<1x128xi32, #tpu.memory_space<vmem>>
    %dma_start3A_10 = tpu.memref_squeeze %dma_start3A_9 : memref<1x128xi32, #tpu.memory_space<vmem>> -> memref<128xi32, #tpu.memory_space<vmem>>
    %dma_start3A_11 = arith.constant 0 : i32
    %dma_start3A_12 = arith.constant 0 : i32
    %dma_start3A_13 = tpu.memref_slice %arg2[%dma_start3A_11, %dma_start3A_12] : memref<1024x64xf32, #tpu.memory_space<hbm>> -> memref<1024x64xf32, #tpu.memory_space<hbm>>
    tpu.enqueue_indirect_dma source(%dma_start3A_13 : memref<1024x64xf32, #tpu.memory_space<hbm>>) target(%dma_start3A_7 : memref<128x64xf32, #tpu.memory_space<vmem>>) offsets(%dma_start3A_10 : memref<128xi32, #tpu.memory_space<vmem>>) semaphore(%arg7 : memref<!tpu.dma_semaphore, #tpu.memory_space<semaphore_mem>>)
    %dma_start3A_14 = arith.constant 1 : i32
    %dma_start3A_15 = arith.constant 128 : i32
    %dma_start3A_16 = arith.constant 0 : i32
    %dma_start3A_17 = tpu.memref_slice %arg6[%dma_start3A_15, %dma_start3A_16] : memref<512x64xf32, #tpu.memory_space<vmem>> -> memref<128x64xf32, #tpu.memory_space<vmem>>
    %dma_start3A_18 = arith.constant 0 : i32
    %dma_start3A_19 = tpu.memref_slice %arg5[%dma_start3A_14, %dma_start3A_18] : memref<4x128xi32, #tpu.memory_space<vmem>> -> memref<1x128xi32, #tpu.memory_space<vmem>>
    %dma_start3A_20 = tpu.memref_squeeze %dma_start3A_19 : memref<1x128xi32, #tpu.memory_space<vmem>> -> memref<128xi32, #tpu.memory_space<vmem>>
    %dma_start3A_21 = arith.constant 0 : i32
    %dma_start3A_22 = arith.constant 0 : i32
    %dma_start3A_23 = tpu.memref_slice %arg2[%dma_start3A_21, %dma_start3A_22] : memref<1024x64xf32, #tpu.memory_space<hbm>> -> memref<1024x64xf32, #tpu.memory_space<hbm>>
    tpu.enqueue_indirect_dma source(%dma_start3A_23 : memref<1024x64xf32, #tpu.memory_space<hbm>>) target(%dma_start3A_17 : memref<128x64xf32, #tpu.memory_space<vmem>>) offsets(%dma_start3A_20 : memref<128xi32, #tpu.memory_space<vmem>>) semaphore(%arg7 : memref<!tpu.dma_semaphore, #tpu.memory_space<semaphore_mem>>)
    %dma_start3A_24 = arith.constant 2 : i32
    %dma_start3A_25 = arith.constant 256 : i32
    %dma_start3A_26 = arith.constant 0 : i32
    %dma_start3A_27 = tpu.memref_slice %arg6[%dma_start3A_25, %dma_start3A_26] : memref<512x64xf32, #tpu.memory_space<vmem>> -> memref<128x64xf32, #tpu.memory_space<vmem>>
    %dma_start3A_28 = arith.constant 0 : i32
    %dma_start3A_29 = tpu.memref_slice %arg5[%dma_start3A_24, %dma_start3A_28] : memref<4x128xi32, #tpu.memory_space<vmem>> -> memref<1x128xi32, #tpu.memory_space<vmem>>
    %dma_start3A_30 = tpu.memref_squeeze %dma_start3A_29 : memref<1x128xi32, #tpu.memory_space<vmem>> -> memref<128xi32, #tpu.memory_space<vmem>>
    %dma_start3A_31 = arith.constant 0 : i32
    %dma_start3A_32 = arith.constant 0 : i32
    %dma_start3A_33 = tpu.memref_slice %arg2[%dma_start3A_31, %dma_start3A_32] : memref<1024x64xf32, #tpu.memory_space<hbm>> -> memref<1024x64xf32, #tpu.memory_space<hbm>>
    tpu.enqueue_indirect_dma source(%dma_start3A_33 : memref<1024x64xf32, #tpu.memory_space<hbm>>) target(%dma_start3A_27 : memref<128x64xf32, #tpu.memory_space<vmem>>) offsets(%dma_start3A_30 : memref<128xi32, #tpu.memory_space<vmem>>) semaphore(%arg7 : memref<!tpu.dma_semaphore, #tpu.memory_space<semaphore_mem>>)
    %dma_start3A_34 = arith.constant 3 : i32
    %dma_start3A_35 = arith.constant 384 : i32
    %dma_start3A_36 = arith.constant 0 : i32
    %dma_start3A_37 = tpu.memref_slice %arg6[%dma_start3A_35, %dma_start3A_36] : memref<512x64xf32, #tpu.memory_space<vmem>> -> memref<128x64xf32, #tpu.memory_space<vmem>>
    %dma_start3A_38 = arith.constant 0 : i32
    %dma_start3A_39 = tpu.memref_slice %arg5[%dma_start3A_34, %dma_start3A_38] : memref<4x128xi32, #tpu.memory_space<vmem>> -> memref<1x128xi32, #tpu.memory_space<vmem>>
    %dma_start3A_40 = tpu.memref_squeeze %dma_start3A_39 : memref<1x128xi32, #tpu.memory_space<vmem>> -> memref<128xi32, #tpu.memory_space<vmem>>
    %dma_start3A_41 = arith.constant 0 : i32
    %dma_start3A_42 = arith.constant 0 : i32
    %dma_start3A_43 = tpu.memref_slice %arg2[%dma_start3A_41, %dma_start3A_42] : memref<1024x64xf32, #tpu.memory_space<hbm>> -> memref<1024x64xf32, #tpu.memory_space<hbm>>
    tpu.enqueue_indirect_dma source(%dma_start3A_43 : memref<1024x64xf32, #tpu.memory_space<hbm>>) target(%dma_start3A_37 : memref<128x64xf32, #tpu.memory_space<vmem>>) offsets(%dma_start3A_40 : memref<128xi32, #tpu.memory_space<vmem>>) semaphore(%arg7 : memref<!tpu.dma_semaphore, #tpu.memory_space<semaphore_mem>>)
    %dma_wait3A = arith.constant 0 : i32
    %dma_wait3A_44 = arith.constant 0 : i32
    %dma_wait3A_45 = arith.constant 0 : i32
    %dma_wait3A_46 = tpu.memref_slice %arg6[%dma_wait3A_44, %dma_wait3A_45] : memref<512x64xf32, #tpu.memory_space<vmem>> -> memref<128x64xf32, #tpu.memory_space<vmem>>
    %dma_wait3A_47 = arith.constant 0 : i32
    %dma_wait3A_48 = tpu.memref_slice %arg5[%dma_wait3A, %dma_wait3A_47] : memref<4x128xi32, #tpu.memory_space<vmem>> -> memref<1x128xi32, #tpu.memory_space<vmem>>
    %dma_wait3A_49 = tpu.memref_squeeze %dma_wait3A_48 : memref<1x128xi32, #tpu.memory_space<vmem>> -> memref<128xi32, #tpu.memory_space<vmem>>
    %dma_wait3A_50 = arith.constant 0 : i32
    %dma_wait3A_51 = arith.constant 0 : i32
    %dma_wait3A_52 = tpu.memref_slice %arg2[%dma_wait3A_50, %dma_wait3A_51] : memref<1024x64xf32, #tpu.memory_space<hbm>> -> memref<1024x64xf32, #tpu.memory_space<hbm>>
    tpu.wait_indirect_dma semaphore(%arg7 : memref<!tpu.dma_semaphore, #tpu.memory_space<semaphore_mem>>) src(%dma_wait3A_52 : memref<1024x64xf32, #tpu.memory_space<hbm>>) dst(%dma_wait3A_46 : memref<128x64xf32, #tpu.memory_space<vmem>>)
    %dma_wait3A_53 = arith.constant 1 : i32
    %dma_wait3A_54 = arith.constant 128 : i32
    %dma_wait3A_55 = arith.constant 0 : i32
    %dma_wait3A_56 = tpu.memref_slice %arg6[%dma_wait3A_54, %dma_wait3A_55] : memref<512x64xf32, #tpu.memory_space<vmem>> -> memref<128x64xf32, #tpu.memory_space<vmem>>
    %dma_wait3A_57 = arith.constant 0 : i32
    %dma_wait3A_58 = tpu.memref_slice %arg5[%dma_wait3A_53, %dma_wait3A_57] : memref<4x128xi32, #tpu.memory_space<vmem>> -> memref<1x128xi32, #tpu.memory_space<vmem>>
    %dma_wait3A_59 = tpu.memref_squeeze %dma_wait3A_58 : memref<1x128xi32, #tpu.memory_space<vmem>> -> memref<128xi32, #tpu.memory_space<vmem>>
    %dma_wait3A_60 = arith.constant 0 : i32
    %dma_wait3A_61 = arith.constant 0 : i32
    %dma_wait3A_62 = tpu.memref_slice %arg2[%dma_wait3A_60, %dma_wait3A_61] : memref<1024x64xf32, #tpu.memory_space<hbm>> -> memref<1024x64xf32, #tpu.memory_space<hbm>>
    tpu.wait_indirect_dma semaphore(%arg7 : memref<!tpu.dma_semaphore, #tpu.memory_space<semaphore_mem>>) src(%dma_wait3A_62 : memref<1024x64xf32, #tpu.memory_space<hbm>>) dst(%dma_wait3A_56 : memref<128x64xf32, #tpu.memory_space<vmem>>)
    %dma_wait3A_63 = arith.constant 2 : i32
    %dma_wait3A_64 = arith.constant 256 : i32
    %dma_wait3A_65 = arith.constant 0 : i32
    %dma_wait3A_66 = tpu.memref_slice %arg6[%dma_wait3A_64, %dma_wait3A_65] : memref<512x64xf32, #tpu.memory_space<vmem>> -> memref<128x64xf32, #tpu.memory_space<vmem>>
    %dma_wait3A_67 = arith.constant 0 : i32
    %dma_wait3A_68 = tpu.memref_slice %arg5[%dma_wait3A_63, %dma_wait3A_67] : memref<4x128xi32, #tpu.memory_space<vmem>> -> memref<1x128xi32, #tpu.memory_space<vmem>>
    %dma_wait3A_69 = tpu.memref_squeeze %dma_wait3A_68 : memref<1x128xi32, #tpu.memory_space<vmem>> -> memref<128xi32, #tpu.memory_space<vmem>>
    %dma_wait3A_70 = arith.constant 0 : i32
    %dma_wait3A_71 = arith.constant 0 : i32
    %dma_wait3A_72 = tpu.memref_slice %arg2[%dma_wait3A_70, %dma_wait3A_71] : memref<1024x64xf32, #tpu.memory_space<hbm>> -> memref<1024x64xf32, #tpu.memory_space<hbm>>
    tpu.wait_indirect_dma semaphore(%arg7 : memref<!tpu.dma_semaphore, #tpu.memory_space<semaphore_mem>>) src(%dma_wait3A_72 : memref<1024x64xf32, #tpu.memory_space<hbm>>) dst(%dma_wait3A_66 : memref<128x64xf32, #tpu.memory_space<vmem>>)
    %dma_wait3A_73 = arith.constant 3 : i32
    %dma_wait3A_74 = arith.constant 384 : i32
    %dma_wait3A_75 = arith.constant 0 : i32
    %dma_wait3A_76 = tpu.memref_slice %arg6[%dma_wait3A_74, %dma_wait3A_75] : memref<512x64xf32, #tpu.memory_space<vmem>> -> memref<128x64xf32, #tpu.memory_space<vmem>>
    %dma_wait3A_77 = arith.constant 0 : i32
    %dma_wait3A_78 = tpu.memref_slice %arg5[%dma_wait3A_73, %dma_wait3A_77] : memref<4x128xi32, #tpu.memory_space<vmem>> -> memref<1x128xi32, #tpu.memory_space<vmem>>
    %dma_wait3A_79 = tpu.memref_squeeze %dma_wait3A_78 : memref<1x128xi32, #tpu.memory_space<vmem>> -> memref<128xi32, #tpu.memory_space<vmem>>
    %dma_wait3A_80 = arith.constant 0 : i32
    %dma_wait3A_81 = arith.constant 0 : i32
    %dma_wait3A_82 = tpu.memref_slice %arg2[%dma_wait3A_80, %dma_wait3A_81] : memref<1024x64xf32, #tpu.memory_space<hbm>> -> memref<1024x64xf32, #tpu.memory_space<hbm>>
    tpu.wait_indirect_dma semaphore(%arg7 : memref<!tpu.dma_semaphore, #tpu.memory_space<semaphore_mem>>) src(%dma_wait3A_82 : memref<1024x64xf32, #tpu.memory_space<hbm>>) dst(%dma_wait3A_76 : memref<128x64xf32, #tpu.memory_space<vmem>>)
    "tpu.region"() ({
      %run_scoped3A = tpu.sem_alloc : memref<!tpu.dma_semaphore, #tpu.memory_space<semaphore_mem>>
      %dma_start3A_83 = arith.constant 0 : i32
      %dma_start3A_84 = tpu.memref_slice %arg4[%mul3A_2, %dma_start3A_83] : memref<16384x64xf32, #tpu.memory_space<hbm>> -> memref<512x64xf32, #tpu.memory_space<hbm>>
      %dma_start3A_85 = arith.constant 0 : i32
      %dma_start3A_86 = tpu.memref_slice %arg4[%mul3A_2, %dma_start3A_85] : memref<16384x64xf32, #tpu.memory_space<hbm>> -> memref<512x64xf32, #tpu.memory_space<hbm>>
      tpu.enqueue_dma source(%arg6 : memref<512x64xf32, #tpu.memory_space<vmem>>) target(%dma_start3A_86 : memref<512x64xf32, #tpu.memory_space<hbm>>) target_semaphore(%run_scoped3A : memref<!tpu.dma_semaphore, #tpu.memory_space<semaphore_mem>>)
      %dma_wait3A_87 = arith.constant 0 : i32
      %dma_wait3A_88 = tpu.memref_slice %arg4[%mul3A_2, %dma_wait3A_87] : memref<16384x64xf32, #tpu.memory_space<hbm>> -> memref<512x64xf32, #tpu.memory_space<hbm>>
      %dma_wait3A_89 = arith.constant 0 : i32
      %dma_wait3A_90 = tpu.memref_slice %arg4[%mul3A_2, %dma_wait3A_89] : memref<16384x64xf32, #tpu.memory_space<hbm>> -> memref<512x64xf32, #tpu.memory_space<hbm>>
      tpu.wait_dma2 semaphore(%run_scoped3A : memref<!tpu.dma_semaphore, #tpu.memory_space<semaphore_mem>>) src(%arg6 : memref<512x64xf32, #tpu.memory_space<vmem>>) dst(%dma_wait3A_90 : memref<512x64xf32, #tpu.memory_space<hbm>>)
      tpu.yield
    }) : () -> ()
    return
  }
}

module attributes {stable_mosaic.version = 14 : i64} {
  func.func @_vq_tc_body(%arg0: i32, %arg1: memref<1x1024x64xf32, #tpu.memory_space<vmem>>, %arg2: memref<64x1024xf32, #tpu.memory_space<vmem>>, %arg3: memref<1x1x1024xi32, #tpu.memory_space<vmem>>, %arg4: memref<1x1xf32, #tpu.memory_space<vmem>>) attributes {dimension_semantics = [#tpu.dimension_semantics<arbitrary>], iteration_bounds = array<i64: 16>, scalar_prefetch = 0 : i64, scratch_operands = 0 : i64, tpu.core_type = #tpu.core_type<tc>, window_params = [{transform_indices = @transform_0, window_bounds = array<i64: 1, 1024, 64>}, {pipeline_mode = #tpu.pipeline_mode<synchronous>, transform_indices = @transform_1, window_bounds = array<i64: 64, 1024>}, {transform_indices = @transform_2, window_bounds = array<i64: 1, 1, 1024>}, {pipeline_mode = #tpu.pipeline_mode<synchronous>, transform_indices = @transform_3, window_bounds = array<i64: 1, 1>}]} {
    %get3A = arith.constant 0 : index
    %get3A_0 = arith.constant 0 : index
    %get3A_1 = arith.constant 0 : index
    %get3A_2 = vector.load %arg1[%get3A, %get3A_0, %get3A_1] : memref<1x1024x64xf32, #tpu.memory_space<vmem>>, vector<1x1024x64xf32>
    %get3A_3 = vector.shape_cast %get3A_2 : vector<1x1024x64xf32> to vector<1024x64xf32>
    %get3A_4 = arith.constant 0 : index
    %get3A_5 = arith.constant 0 : index
    %get3A_6 = vector.load %arg2[%get3A_4, %get3A_5] : memref<64x1024xf32, #tpu.memory_space<vmem>>, vector<64x1024xf32>
    %mul3A = arith.mulf %get3A_6, %get3A_6 : vector<64x1024xf32>
    %reduce_sum3A = arith.constant dense<0.000000e+00> : vector<1024xf32>
    %reduce_sum3A_7 = vector.multi_reduction <add>, %mul3A, %reduce_sum3A [0] : vector<64x1024xf32> to vector<1024xf32>
    %broadcast_in_dim3A = vector.shape_cast %reduce_sum3A_7 : vector<1024xf32> to vector<1x1024xf32>
    %mul3A_8 = arith.mulf %get3A_3, %get3A_3 : vector<1024x64xf32>
    %reduce_sum3A_9 = arith.constant dense<0.000000e+00> : vector<1024xf32>
    %reduce_sum3A_10 = vector.multi_reduction <add>, %mul3A_8, %reduce_sum3A_9 [1] : vector<1024x64xf32> to vector<1024xf32>
    %broadcast_in_dim3A_11 = vector.shape_cast %reduce_sum3A_10 : vector<1024xf32> to vector<1024x1xf32>
    %add3A = arith.addf %get3A_3, %get3A_3 : vector<1024x64xf32>
    %dot_general3A = arith.constant dense<0.000000e+00> : vector<1024x1024xf32>
    %dot_general3A_12 = tpu.matmul %add3A, %get3A_6, %dot_general3A {dimension_numbers = #tpu.dot_dimension_numbers<[1], [0], [0], [1], [0, 0, 1, 1], [], []>, transpose_lhs_hint = false} : vector<1024x64xf32>, vector<64x1024xf32>, vector<1024x1024xf32> -> vector<1024x1024xf32>
    %add3A_13 = vector.broadcast %broadcast_in_dim3A_11 : vector<1024x1xf32> to vector<1024x1024xf32>
    %add3A_14 = vector.broadcast %broadcast_in_dim3A : vector<1x1024xf32> to vector<1024x1024xf32>
    %add3A_15 = arith.addf %add3A_13, %add3A_14 : vector<1024x1024xf32>
    %sub3A = arith.subf %add3A_15, %dot_general3A_12 : vector<1024x1024xf32>
    %reduce_min3A = arith.constant dense<0x7F800000> : vector<1024xf32>
    %reduce_min3A_16 = vector.multi_reduction <minimumf>, %sub3A, %reduce_min3A [1] : vector<1024x1024xf32> to vector<1024xf32>
    %broadcast_in_dim3A_17 = vector.shape_cast %reduce_min3A_16 : vector<1024xf32> to vector<1024x1xf32>
    %sub3A_18 = vector.broadcast %broadcast_in_dim3A_17 : vector<1024x1xf32> to vector<1024x1024xf32>
    %sub3A_19 = arith.subf %sub3A, %sub3A_18 : vector<1024x1024xf32>
    %iota3A = tpu.iota {dimensions = array<i32: 1>} : vector<1x1024xi32>
    %convert_element_type3A = arith.sitofp %iota3A : vector<1x1024xi32> to vector<1x1024xf32>
    %mul3A_20 = arith.constant 0x4E000000 : f32
    %mul3A_21 = vector.broadcast %mul3A_20 : f32 to vector<1024x1024xf32>
    %mul3A_22 = arith.mulf %sub3A_19, %mul3A_21 : vector<1024x1024xf32>
    %add3A_23 = vector.broadcast %convert_element_type3A : vector<1x1024xf32> to vector<1024x1024xf32>
    %add3A_24 = arith.addf %mul3A_22, %add3A_23 : vector<1024x1024xf32>
    %reduce_min3A_25 = arith.constant dense<0x7F800000> : vector<1024xf32>
    %reduce_min3A_26 = vector.multi_reduction <minimumf>, %add3A_24, %reduce_min3A_25 [1] : vector<1024x1024xf32> to vector<1024xf32>
    %broadcast_in_dim3A_27 = vector.shape_cast %reduce_min3A_26 : vector<1024xf32> to vector<1024x1xf32>
    %convert_element_type3A_28 = arith.fptosi %broadcast_in_dim3A_27 : vector<1024x1xf32> to vector<1024x1xi32>
    %reshape3A = vector.shape_cast %convert_element_type3A_28 : vector<1024x1xi32> to vector<1x1024xi32>
    %swap3A = arith.constant 0 : index
    %swap3A_29 = arith.constant 0 : index
    %swap3A_30 = arith.constant 0 : index
    %swap3A_31 = vector.load %arg3[%swap3A, %swap3A_29, %swap3A_30] : memref<1x1x1024xi32, #tpu.memory_space<vmem>>, vector<1x1x1024xi32>
    %swap3A_32 = vector.shape_cast %swap3A_31 : vector<1x1x1024xi32> to vector<1x1024xi32>
    %swap3A_33 = vector.shape_cast %reshape3A : vector<1x1024xi32> to vector<1x1x1024xi32>
    tpu.vector_store %arg3[%swap3A, %swap3A_29, %swap3A_30], %swap3A_33 {strides = array<i32>} : memref<1x1x1024xi32, #tpu.memory_space<vmem>>, vector<1x1x1024xi32>,
    %reduce_sum3A_34 = vector.shape_cast %broadcast_in_dim3A_17 : vector<1024x1xf32> to vector<1x1024x1xf32>
    %reduce_sum3A_35 = arith.constant dense<0.000000e+00> : vector<1xf32>
    %reduce_sum3A_36 = vector.multi_reduction <add>, %reduce_sum3A_34, %reduce_sum3A_35 [1, 2] : vector<1x1024x1xf32> to vector<1xf32>
    %reduce_sum3A_37 = vector.shape_cast %reduce_sum3A_36 : vector<1xf32> to vector<1x1x1xf32>
    %reduce_sum3A_38 = vector.extract %reduce_sum3A_37[0, 0, 0] : f32 from vector<1x1x1xf32>
    %reshape3A_39 = vector.broadcast %reduce_sum3A_38 : f32 to vector<1x1xf32>
    %eq3A = arith.constant 0 : i32
    %eq3A_40 = arith.cmpi eq, %arg0, %eq3A : i32
    %convert_element_type3A_41 = arith.extui %eq3A_40 : i1 to i32
    %cond3A = arith.constant 0 : i32
    %cond3A_42 = arith.cmpi ne, %convert_element_type3A_41, %cond3A : i32
    scf.if %cond3A_42 {
      %swap3A_52 = arith.constant 0 : index
      %swap3A_53 = arith.constant 0 : index
      %swap3A_54 = vector.load %arg4[%swap3A_52, %swap3A_53] : memref<1x1xf32, #tpu.memory_space<vmem>>, vector<1x1xf32>
      tpu.vector_store %arg4[%swap3A_52, %swap3A_53], %reshape3A_39 {strides = array<i32>} : memref<1x1xf32, #tpu.memory_space<vmem>>, vector<1x1xf32>,
    } else {
    }
    %ne3A = arith.constant 0 : i32
    %ne3A_43 = arith.cmpi ne, %arg0, %ne3A : i32
    %convert_element_type3A_44 = arith.extui %ne3A_43 : i1 to i32
    %cond3A_45 = arith.constant 0 : i32
    %cond3A_46 = arith.cmpi ne, %convert_element_type3A_44, %cond3A_45 : i32
    scf.if %cond3A_46 {
      %get3A_52 = arith.constant 0 : index
      %get3A_53 = arith.constant 0 : index
      %get3A_54 = vector.load %arg4[%get3A_52, %get3A_53] : memref<1x1xf32, #tpu.memory_space<vmem>>, vector<1x1xf32>
      %add3A_55 = arith.addf %get3A_54, %reshape3A_39 : vector<1x1xf32>
      %swap3A_56 = arith.constant 0 : index
      %swap3A_57 = arith.constant 0 : index
      %swap3A_58 = vector.load %arg4[%swap3A_56, %swap3A_57] : memref<1x1xf32, #tpu.memory_space<vmem>>, vector<1x1xf32>
      tpu.vector_store %arg4[%swap3A_56, %swap3A_57], %add3A_55 {strides = array<i32>} : memref<1x1xf32, #tpu.memory_space<vmem>>, vector<1x1xf32>,
    } else {
    }
    %eq3A_47 = arith.constant 15 : i32
    %eq3A_48 = arith.cmpi eq, %arg0, %eq3A_47 : i32
    %convert_element_type3A_49 = arith.extui %eq3A_48 : i1 to i32
    %cond3A_50 = arith.constant 0 : i32
    %cond3A_51 = arith.cmpi ne, %convert_element_type3A_49, %cond3A_50 : i32
    scf.if %cond3A_51 {
      %get3A_52 = arith.constant 0 : index
      %get3A_53 = arith.constant 0 : index
      %get3A_54 = vector.load %arg4[%get3A_52, %get3A_53] : memref<1x1xf32, #tpu.memory_space<vmem>>, vector<1x1xf32>
      %mul3A_55 = arith.constant 9.53674316E-7 : f32
      %mul3A_56 = vector.broadcast %mul3A_55 : f32 to vector<1x1xf32>
      %mul3A_57 = arith.mulf %get3A_54, %mul3A_56 : vector<1x1xf32>
      %mul3A_58 = arith.constant 2.500000e-01 : f32
      %mul3A_59 = vector.broadcast %mul3A_58 : f32 to vector<1x1xf32>
      %mul3A_60 = arith.mulf %mul3A_59, %mul3A_57 : vector<1x1xf32>
      %add3A_61 = arith.addf %mul3A_57, %mul3A_60 : vector<1x1xf32>
      %swap3A_62 = arith.constant 0 : index
      %swap3A_63 = arith.constant 0 : index
      %swap3A_64 = vector.load %arg4[%swap3A_62, %swap3A_63] : memref<1x1xf32, #tpu.memory_space<vmem>>, vector<1x1xf32>
      tpu.vector_store %arg4[%swap3A_62, %swap3A_63], %add3A_61 {strides = array<i32>} : memref<1x1xf32, #tpu.memory_space<vmem>>, vector<1x1xf32>,
    } else {
    }
    return
  }
  func.func @transform_0(%arg0: i32) -> (i32, i32, i32) {
    %c0_i32 = arith.constant 0 : i32
    %c0_i32_0 = arith.constant 0 : i32
    %c0_i32_1 = arith.constant 0 : i32
    return %arg0, %c0_i32, %c0_i32_0 : i32, i32, i32
  }
  func.func @transform_1(%arg0: i32) -> (i32, i32) {
    %c0_i32 = arith.constant 0 : i32
    %c0_i32_0 = arith.constant 0 : i32
    %c0_i32_1 = arith.constant 0 : i32
    return %c0_i32, %c0_i32_0 : i32, i32
  }
  func.func @transform_2(%arg0: i32) -> (i32, i32, i32) {
    %c0_i32 = arith.constant 0 : i32
    %c0_i32_0 = arith.constant 0 : i32
    %c0_i32_1 = arith.constant 0 : i32
    return %arg0, %c0_i32, %c0_i32_0 : i32, i32, i32
  }
  func.func @transform_3(%arg0: i32) -> (i32, i32) {
    %c0_i32 = arith.constant 0 : i32
    %c0_i32_0 = arith.constant 0 : i32
    %c0_i32_1 = arith.constant 0 : i32
    return %c0_i32, %c0_i32_0 : i32, i32
  }
}

</mosaic_0001>

<sc_bundles>
// kernel: kernel.4.cloned.1.call-start
scs
__scs_entry_jumppad:
0x0: {  	(pc) =	sbr.rel $0x88, $3  }
0x1: {  	(tag) =	ssettag $0x0;
	lr =	simm.s32 $0x1  }
0x2: {  	[smem:$0x3F9F] =	sst lr;
	_ =	strace $0xD0000000  }
0x3: {  	_ = 	snop  }
0x4: {  	_ = 	snop  }
0x5: {  	_ = 	snop  }
0x6: {  	_ = 	snop  }
0x7: {  	_ = 	snop  }
__scs_overlays_trampoline_lowered:
0x8: {  	[smem:$0x3FAE] =	sst s0  }
0x9: {  	[smem:$0x3FAF] =	sst s1  }
0xa: {  	[smem:$0x3FB0] =	sst s2  }
0xb: {  	[smem:$0x3FB1] =	sst s3  }
0xc: {  	[smem:$0x3FB2] =	sst s4  }
0xd: {  	[smem:$0x3FB3] =	sst s5  }
0xe: {  	[smem:$0x3FB4] =	sst s6  }
0xf: {  	[smem:$0x3FB5] =	sst s7  }
0x10: {  	[smem:$0x3FB6] =	sst s8  }
0x11: {  	[smem:$0x3FB7] =	sst s9;
	s0 =	simm.s32 @!p0 $0x0  }
0x12: {  	s1 =	sld [smem:$0x3F9D];
	s0 =	simm.s32 @p0 $0x1  }
0x13: {  	[smem:$0x3FB8] =	sst s0;
	s0 =	simm.s32 @!p1 $0x0  }
0x14: {  	s2 =	sld [smem:$0x3F9C];
	s0 =	simm.s32 @p1 $0x1  }
0x15: {  	[smem:$0x3FB9] =	sst s0;
	s0 =	simm.s32 @!p2 $0x0  }
0x16: {  	s3 =	sld [smem:$0x3FDB];
	s0 =	simm.s32 @p2 $0x1  }
0x17: {  	s4 =	simm.s32 $0x1BF5;
	[smem:$0x3FBB] =	sst s0  }
0x18: {  	s0 =	sld [smem:$0x3F9E];
	_ =	swait.ge [sflag:s4], $0x0  }
0x19: {  	s7 =	sld [smem:$0x3F9F]  }
0x1a: {  	s8 =	sadd.s32 $0xFFFFE003, lr  }
0x1b: {  	s9 =	sadd.s32 $0xFFFFFEF7, lr;
	s5 =	simm.s32 $0xFFFFFFFF;
	p2 =	slt.u32 s8, $0xFFFFF086  }
0x1c: {  	p1 =	slt.u32 s9, $0xF7A;
	s5 =	simm.s32 @!p2 $0x0  }
0x1d: {  	s5 =	simm.s32 @p1 $0x1;
	p0 =	seq.s32 s7, s2  }
0x1e: {  	s7 =	smul.u32 @!p0 $0xF7A, s2;
	p2 =	seq.s32 @!p0 s5, $0x0  }
0x1f: {  	s9 =	smul.u32 $0xF7A, s1;
	s8 =	simm.s32 @!p0 $0x1BF5;
	p2 =	por !p2, p0  }
0x20: {  	[sflag:s8] =	ssyncset.s32 @!p0 $0xFFFFF086;
	s6 =	sadd.s32 @!p0 s3, s7;
	s7 =	simm.s32 @!p0 $0x108  }
0x21: {  	s3 =	sadd.s32 s3, s9;
	s6 =	sadd.s32 @!p0 $0x88, s6;
	s7 =	simm.s32 @p2 $0x1082  }
0x22: {  	[simem:s7], [sflag:s8] =	dma.local @!p0 [hbm:s6], $0xF7A  }
0x23: {  	s9 =	sor.u32 $0xD0000000, s2;
	s6 =	simm.s32 $0x108;
	_ =	swait.ge @!p0 [sflag:s8], $0x0  }
0x24: {  	s3 =	sadd.s32 $0x88, s3;
	s6 =	simm.s32 @!p1 $0x1082;
	[sflag:s4] =	ssyncset.s32 $0xFFFFF086  }
0x25: {  	[simem:s6], [sflag:s4] =	dma.local [hbm:s3], $0xF7A  }
0x26: {  	[smem:$0x3F9F] =	sst s1;
	(tag) =	ssettag s2;
	_ =	strace s9  }
0x27: {  	s1 =	sld [smem:$0x3FAF]  }
0x28: {  	s2 =	sld [smem:$0x3FB0]  }
0x29: {  	s4 =	sld [smem:$0x3FB2]  }
0x2a: {  	p0 =	seq.s32 s5, $0x0;
	s5 =	sld [smem:$0x3FB3]  }
0x2b: {  	s6 =	sld [smem:$0x3FB4]  }
0x2c: {  	s7 =	sld [smem:$0x3FB5]  }
0x2d: {  	s3 =	simm.s32 $0x108;
	s8 =	sld [smem:$0x3FB6]  }
0x2e: {  	s3 =	simm.s32 @!p0 $0x1082;
	s9 =	sld [smem:$0x3FB7]  }
0x2f: {  	lr =	sadd.s32 s0, s3;
	s0 =	sld [smem:$0x3FAE]  }
0x30: {  	s3 =	sld [smem:$0x3FB1]  }
0x31: {  	[smem:$0x3FBA] =	sst s10  }
0x32: {  	s10 =	sld [smem:$0x3FB8];
	_ =	sdelay $0x3  }
0x33: {  	p0 =	seq.s32 s10, $0x1;
	s10 =	sld [smem:$0x3FBA];
	_ =	sdelay $0x3  }
0x34: {  	[smem:$0x3FBA] =	sst s10  }
0x35: {  	s10 =	sld [smem:$0x3FB9];
	_ =	sdelay $0x3  }
0x36: {  	p1 =	seq.s32 s10, $0x1;
	s10 =	sld [smem:$0x3FBA];
	_ =	sdelay $0x3  }
0x37: {  	[smem:$0x3FBA] =	sst s10  }
0x38: {  	s10 =	sld [smem:$0x3FBB]  }
0x39: {  	_ = 	snop;
	(pc) =	sbr.ind lr, $3  }
0x3a: {  	_ = 	snop  }
0x3b: {  	_ = 	snop  }
0x3c: {  	p2 =	seq.s32 s10, $0x1;
	s10 =	sld [smem:$0x3FBA]  }
0x3d: {  	_ =	shalt  }
0x3e: {  	_ =	shalt  }
0x3f: {  	_ =	shalt  }
0x40: {  	_ =	shalt  }
0x41: {  	_ =	shalt  }
0x42: {  	_ =	shalt  }
0x43: {  	_ =	shalt  }
0x44: {  	_ =	shalt  }
0x45: {  	_ =	shalt  }
0x46: {  	_ =	shalt  }
0x47: {  	_ =	shalt  }
0x48: {  	_ =	shalt  }
0x49: {  	_ =	shalt  }
0x4a: {  	_ =	shalt  }
0x4b: {  	_ =	shalt  }
0x4c: {  	_ =	shalt  }
0x4d: {  	_ =	shalt  }
0x4e: {  	_ =	shalt  }
0x4f: {  	_ =	shalt  }
0x50: {  	_ =	shalt  }
0x51: {  	_ =	shalt  }
0x52: {  	_ =	shalt  }
0x53: {  	_ =	shalt  }
0x54: {  	_ =	shalt  }
0x55: {  	_ =	shalt  }
0x56: {  	_ =	shalt  }
0x57: {  	_ =	shalt  }
0x58: {  	_ =	shalt  }
0x59: {  	_ =	shalt  }
0x5a: {  	_ =	shalt  }
0x5b: {  	_ =	shalt  }
0x5c: {  	_ =	shalt  }
0x5d: {  	_ =	shalt  }
0x5e: {  	_ =	shalt  }
0x5f: {  	_ =	shalt  }
0x60: {  	_ =	shalt  }
0x61: {  	_ =	shalt  }
0x62: {  	_ =	shalt  }
0x63: {  	_ =	shalt  }
0x64: {  	_ =	shalt  }
0x65: {  	_ =	shalt  }
0x66: {  	_ =	shalt  }
0x67: {  	_ =	shalt  }
0x68: {  	_ =	shalt  }
0x69: {  	_ =	shalt  }
0x6a: {  	_ =	shalt  }
0x6b: {  	_ =	shalt  }
0x6c: {  	_ =	shalt  }
0x6d: {  	_ =	shalt  }
0x6e: {  	_ =	shalt  }
0x6f: {  	_ =	shalt  }
0x70: {  	_ =	shalt  }
0x71: {  	_ =	shalt  }
0x72: {  	_ =	shalt  }
0x73: {  	_ =	shalt  }
0x74: {  	_ =	shalt  }
0x75: {  	_ =	shalt  }
0x76: {  	_ =	shalt  }
0x77: {  	_ =	shalt  }
0x78: {  	_ =	shalt  }
0x79: {  	_ =	shalt  }
0x7a: {  	_ =	shalt  }
0x7b: {  	_ =	shalt  }
0x7c: {  	_ =	shalt  }
0x7d: {  	_ =	shalt  }
0x7e: {  	_ =	shalt  }
0x7f: {  	_ =	shalt  }
0x80: {  	_ =	shalt  }
0x81: {  	_ =	shalt  }
0x82: {  	_ =	shalt  }
0x83: {  	_ =	shalt  }
0x84: {  	_ =	shalt  }
0x85: {  	_ =	shalt  }
0x86: {  	_ =	shalt  }
0x87: {  	_ =	shalt  }
.Lfunc_end0:
.L_simem_size_0:
called_computation_lowered:
.L_overlay_start_0:
0x88: {  	s2 =	sld [smem:$0x3FD9]  }
0x89: {  	s3 =	sld [smem:$0x3FFE];
	_ =	sdelay $0x1  }
0x8a: {  	s1 =	srdreg.scid  }
0x8b: {  	s0 =	sand.u32 $0x1, s1  }
0x8c: {  	s14 =	sshll.u32 s0, $0xA;
	s2 =	sadd.s32 s3, s2  }
0x8d: {  	s2 =	sadd.s32 s2, s14  }
0x8e: {  	[smem:$0x3FC6] =	sst s2  }
0x8f: {  	_ = 	snop  }
0x90: {  	s2 =	sld [smem:$0x3FD0];
	_ =	sdelay $0x2  }
0x91: {  	s15 =	simm.s32 $0xA;
	s4 =	simm.s32 $0x10  }
0x92: {  	[smem:s4], [sflag:s15] =	dma.local [hbm:s2], $0x1  }
0x93: {  	_ =	swait.eq [sflag:s15], $0x1  }
0x94: {  	[sflag:s15] =	ssyncset.done $0x0  }
0x95: {  	s16 =	sld [smem:$0x10];
	[sflag:s15] =	ssyncadd.s32 $0xFFFFFFFF  }
0x96: {  	s17 =	sld [smem:$0x12];
	(tm) =	ssettm $0x1  }
0x97: {  	s18 =	sld [smem:$0x3FFB];
	_ =	sdelay $0x3  }
0x98: {  	_ =	strace s18  }
0x99: {  	s4 =	sld [smem:$0x3FFC];
	_ =	sdelay $0x3  }
0x9a: {  	_ =	strace s4  }
0x9b: {  	s4 =	sld [smem:$0x3FFD];
	_ =	sdelay $0x3  }
0x9c: {  	_ =	strace s4  }
0x9d: {  	_ =	strace $0x8FFFFFFF  }
0x9e: {  	s19 =	sld [smem:$0x3FDB];
	_ =	sdelay $0x1  }
0x9f: {  	s5 =	simm.s32 $_scs_section_size  }
0xa0: {  	s6 =	simm.s32 $_size__tile_overlayer_lowered;
	s7 =	simm.s32 $_tile_overlayer_lowered  }
0xa1: {  	s22 =	simm.s32 $0x1BFF;
	s21 =	sshll.u32 s7, $0x1;
	s4 =	sadd.s32 s5, s19  }
0xa2: {  	s8 =	simm.s32 $0x0;
	s20 =	sshll.u32 s6, $0x1;
	s6 =	sadd.s32 s21, s4  }
0xa3: {  	[timem:s8], [sflag:s22] =	dma.local [hbm:s6], s20  }
0xa4: {  	_ =	swait.ge [sflag:s22], s20  }
0xa5: {  	s5 =	ssub.s32 $0x0, s20;
	[sflag:s22] =	ssyncset.done $0x0  }
0xa6: {  	[sflag:s22] =	ssyncadd.s32 s5;
	_ =	sdelay $0x1  }
0xa7: {  	s23 =	simm.s32 $0x1B8B  }
0xa8: {  	_ =	swait.ge [sflag:s23], $0x1  }
0xa9: {  	[sflag:s23] =	ssyncset.done $0x0  }
0xaa: {  	s25 =	simm.s32 $0x1B8E;
	s24 =	sld [smem:$0x3FFE];
	[sflag:s23] =	ssyncadd.s32 $0xFFFFFFFF  }
0xab: {  	s26 =	simm.s32 $execute0_lowered;
	[smem:$0x3FD2] =	sst s25  }
0xac: {  	s6 =	sshll.u32 s26, $0x1;
	_ =	strace $0x80000046;
	[dreg:$0x1] =	wrdreg $0xFFFFFFFF  }
0xad: {  	s28 =	simm.s32 $_size_execute0_lowered;
	s4 =	sadd.s32 s4, s6;
	[dreg:$0x0] =	wrdreg $0x0  }
0xae: {  	s6 =	sshll.u32 s28, $0x1;
	[dreg:$0x2] =	wrdreg s4  }
0xaf: {  	[dreg:$0x3] =	wrdreg s6  }
0xb0: {  	[dreg:$0x4] =	wrdreg $0xC0  }
0xb1: {  	_ =	task [dreg:s8], $0x5FFFF  }
0xb2: {  	[dreg:$0x1] =	wrdreg $0xFFFFFFFF  }
0xb3: {  	[dreg:$0x0] =	wrdreg $0x60  }
0xb4: {  	[dreg:$0x2] =	wrdreg s16  }
0xb5: {  	[dreg:$0x3] =	wrdreg s17  }
0xb6: {  	[dreg:$0x4] =	wrdreg s24  }
0xb7: {  	[dreg:$0x5] =	wrdreg $0x9  }
0xb8: {  	_ =	task.clear_ibuf [dreg:s8], $0x6FFFF;
	_ =	strace $0x90000046  }
0xb9: {  	s29 =	simm.s32 $0x9;
	_ =	strace $0x80000048  }
0xba: {  	_ =	swait.ge [sflag:s29], $0x1  }
0xbb: {  	[sflag:s29] =	ssyncadd.s32 $0xFFFFFFFF  }
0xbc: {  	_ =	strace $0x90000048  }
0xbd: {  	_ =	sfence  }
0xbe: {  	s30 =	sld [smem:$0x0];
	_ =	sdelay $0x2  }
0xbf: {  	s31 =	sshll.u32 s1, $0xD;
	s1 =	sshrl.u32 s1, $0x2  }
0xc0: {  	s3 =	sand.u32 $0x4000, s31;
	s1 =	sadd.s32 s1, s30  }
0xc1: {  	s0 =	sor.u32 s3, s0;
	s1 =	sshll.u32 s1, $0x11  }
0xc2: {  	s0 =	sor.u32 s1, s0  }
0xc3: {  	s0 =	sadd.s32 $0x8F2B, s0  }
0xc4: {  	[sflag:s0] =	ssyncadd.remote.s32 $0x1  }
0xc5: {  	_ =	sfence.sel $0xFFFF  }
0xc6: {  	[dreg:$0x0] =	wrdreg $0xFFFFFFFF;
	(pc) =	sbr.abs _section_cstart, $3  }
0xc7: {  	[dreg:$0x1] =	wrdreg $0xFFFFFFFF  }
0xc8: {  	_ =	task.clear_ibuf [dreg:s8], $0x2FFFF;
	_ =	strace $0x9FFFFFFF  }
0xc9: {  	(tm) =	ssettm $0x7FFFFFFF  }
tec
execute0_lowered:
.L_overlay_start_1:
0x0: {  	(tag) =	ssettag $0x1  }
0x1: {  	s2 =	rddreg [dreg:$0x0]  }
0x2: {  	s4 =	rddreg [dreg:$0x1]  }
0x3: {  	s1 =	srdreg.scid;
	s0 =	stileid.u32  }
0x4: {  	s14 =	rddreg [dreg:$0x2];
	s15 =	sand.u32 $0x1, s1;
	s5 =	sshll.u32 s0, $0x1  }
0x5: {  	s3 =	simm.s32 $0x0;
	s1 =	rddreg [dreg:$0x3];
	s16 =	sor.u32 s15, s5  }
0x6: {  	[smem:$0x7FF] =	sst s3;
	s5 =	sshll.u32 s16, $0x6  }
0x7: {  	_ =	strace $0x80000047;
	s5 =	sadd.s32 s4, s5;
	s4 =	simm.s32 $0x2  }
0x8: {  	[tilespmem:s3], [sflag:$0x2] =	stream.linear.gather [hbm4b:s5+s3], $0x200, $0x38;
	[tilespmem:$0x8200] =	vst v63  }
0x9: {  	_ =	swait.ge [sflag:s4], $0x200  }
0xa: {  	[sflag:s4] =	ssyncset.done $0x0  }
0xb: {  	s6 =	simm.s32 $0x80;
	s7 =	simm.s32 $0x200;
	[sflag:s4] =	ssyncadd.s32 $0xFFFFFE00  }
0xc: {  	[tilespmem:s7], [sflag:$0x1] =	stream.indirect.gather [hbm4b:s2+s6], $0x40, s3, s6, $0xb8;
	[tilespmem:$0x8200] =	vst v63  }
0xd: {  	s8 =	simm.s32 $0x2200  }
0xe: {  	[tilespmem:s8], [sflag:$0x1] =	stream.indirect.gather [hbm4b:s2+s6], $0x40, s6, s6, $0xb8;
	[tilespmem:$0x8200] =	vst v63  }
0xf: {  	s9 =	simm.s32 $0x100;
	s10 =	simm.s32 $0x4200  }
0x10: {  	[tilespmem:s10], [sflag:$0x1] =	stream.indirect.gather [hbm4b:s2+s6], $0x40, s9, s6, $0xb8;
	[tilespmem:$0x8200] =	vst v63  }
0x11: {  	s11 =	simm.s32 $0x180;
	s12 =	simm.s32 $0x6200;
	s13 =	simm.s32 $0x1  }
0x12: {  	[tilespmem:s12], [sflag:$0x1] =	stream.indirect.gather [hbm4b:s2+s6], $0x40, s11, s6, $0xb8;
	[tilespmem:$0x8200] =	vst v63  }
0x13: {  	_ =	swait.ge [sflag:s13], $0x2000  }
0x14: {  	[sflag:s13] =	ssyncset.done $0x0  }
0x15: {  	[sflag:s13] =	ssyncadd.s32 $0xFFFFE000  }
0x16: {  	_ =	swait.ge [sflag:s13], $0x2000  }
0x17: {  	[sflag:s13] =	ssyncset.done $0x0  }
0x18: {  	s15 =	ssub.s32 $0x2, s15;
	[sflag:s13] =	ssyncadd.s32 $0xFFFFE000  }
0x19: {  	s17 =	sshrl.u32 s15, $0x1;
	_ =	swait.ge [sflag:s13], $0x2000  }
0x1a: {  	s15 =	ssub.s32 s15, s17;
	[sflag:s13] =	ssyncset.done $0x0  }
0x1b: {  	s15 =	smax.u32 s15, $0x1;
	[sflag:s13] =	ssyncadd.s32 $0xFFFFE000  }
0x1c: {  	s16 =	sshll.u32 s16, $0xC;
	p0 =	sne.s32 s15, $0x1;
	_ =	swait.ge [sflag:s13], $0x2000  }
.Ltmp0:
0x1d: {  	s14 =	sadd.s32 s16, s14;
	[sflag:s13] =	ssyncset.done $0x0;
	(pc) =	sbr.rel @!p0 .LBB2_2-.Ltmp0, $4  }
0x1e: {  	s14 =	sadd.s32 $0xA00, s14;
	[sflag:s13] =	ssyncadd.s32 $0xFFFFE000  }
0x1f: {  	[hbm4b:s14+s3] =	stream.linear.scatter [tilespmem:s7], [sflag:$0x2], $0x8000, $0x38;
	[tilespmem:$0x8200] =	vst v63  }
0x20: {  	_ =	swait.ge [sflag:s4], $0x8000  }
0x21: {  	s15 =	sadd.s32 $0xFFFFFFFF, s15;
	[sflag:s4] =	ssyncset.done $0x0  }
.LBB2_1:
0x22: {  	p0 =	sne.s32 s15, $0x1;
	s15 =	sadd.s32 $0xFFFFFFFF, s15;
	[sflag:s4] =	ssyncadd.s32 $0xFFFF8000  }
0x23: {  	[tilespmem:s3], [sflag:$0x2] =	stream.linear.gather [hbm4b:s5+s3], $0x200, $0x38;
	[tilespmem:$0x8200] =	vst v63  }
0x24: {  	_ =	swait.ge [sflag:s4], $0x200  }
0x25: {  	[sflag:s4] =	ssyncset.done $0x0  }
0x26: {  	[sflag:s4] =	ssyncadd.s32 $0xFFFFFE00  }
0x27: {  	[tilespmem:s7], [sflag:$0x1] =	stream.indirect.gather [hbm4b:s2+s6], $0x40, s3, s6, $0xb8;
	[tilespmem:$0x8200] =	vst v63  }
0x28: {  	_ = 	snop  }
0x29: {  	[tilespmem:s8], [sflag:$0x1] =	stream.indirect.gather [hbm4b:s2+s6], $0x40, s6, s6, $0xb8;
	[tilespmem:$0x8200] =	vst v63  }
0x2a: {  	_ = 	snop  }
0x2b: {  	[tilespmem:s10], [sflag:$0x1] =	stream.indirect.gather [hbm4b:s2+s6], $0x40, s9, s6, $0xb8;
	[tilespmem:$0x8200] =	vst v63  }
0x2c: {  	_ = 	snop  }
0x2d: {  	[tilespmem:s12], [sflag:$0x1] =	stream.indirect.gather [hbm4b:s2+s6], $0x40, s11, s6, $0xb8;
	[tilespmem:$0x8200] =	vst v63  }
0x2e: {  	_ =	swait.ge [sflag:s13], $0x2000  }
0x2f: {  	[sflag:s13] =	ssyncset.done $0x0  }
0x30: {  	[sflag:s13] =	ssyncadd.s32 $0xFFFFE000  }
0x31: {  	_ =	swait.ge [sflag:s13], $0x2000  }
0x32: {  	[sflag:s13] =	ssyncset.done $0x0  }
0x33: {  	[sflag:s13] =	ssyncadd.s32 $0xFFFFE000  }
0x34: {  	_ =	swait.ge [sflag:s13], $0x2000  }
0x35: {  	[sflag:s13] =	ssyncset.done $0x0  }
0x36: {  	[sflag:s13] =	ssyncadd.s32 $0xFFFFE000  }
0x37: {  	_ =	swait.ge [sflag:s13], $0x2000  }
.Ltmp1:
0x38: {  	[sflag:s13] =	ssyncset.done $0x0;
	(pc) =	sbr.rel @p0 .LBB2_1-.Ltmp1, $4  }
0x39: {  	[sflag:s13] =	ssyncadd.s32 $0xFFFFE000  }
0x3a: {  	[hbm4b:s14+s3] =	stream.linear.scatter [tilespmem:s7], [sflag:$0x2], $0x8000, $0x38;
	[tilespmem:$0x8200] =	vst v63  }
0x3b: {  	_ =	swait.ge [sflag:s4], $0x8000  }
0x3c: {  	[sflag:s4] =	ssyncset.done $0x0  }
.LBB2_2:
0x3d: {  	[sflag:s4] =	ssyncadd.s32 $0xFFFF8000  }
0x3e: {  	_ =	sfence.sel $0x180000  }
0x3f: {  	[bflag:$0x0] =	sbarrier.arrive $0xFFFF  }
0x40: {  	p0 =	sne.s32 s0, $0x0;
	_ =	strace $0x90000047  }
0x41: {  	s0 =	sadd.s32 @!p0 $0x100000, s1;
	[bflag:$0x2] =	sbarrier.arrive $0xFFFF  }
0x42: {  	[sflag:s0] =	ssyncadd.tile.s32 @!p0 $0x1;
	_ =	shalt  }
.Lfunc_end2:
_tile_overlayer_lowered:
.L_overlay_start_2:
0x43: {  	(tag) =	ssettag $0x2  }
0x44: {  	s0 =	rddreg [dreg:$0x0];
	s2 =	stileid.u32  }
0x45: {  	s1 =	rddreg [dreg:$0x1];
	p0 =	sne.s32 s2, $0x0  }
0x46: {  	s3 =	rddreg [dreg:$0x2];
	[bflag:$0x3] =	sbarrier.arrive $0xFFFF;
	s2 =	simm.s32 @!p0 $0x1C02  }
0x47: {  	[timem:s3], [sflag:s2] =	dma.local @!p0 [hbm:s0], s1  }
0x48: {  	s0 =	simm.s32 @!p0 $0x2  }
0x49: {  	_ =	swait.ge @!p0 [sflag:s0], s1  }
0x4a: {  	s1 =	ssub.s32 @!p0 $0x0, s1;
	[sflag:s0] =	ssyncset.done @!p0 $0x0  }
0x4b: {  	[sflag:s0] =	ssyncadd.s32 @!p0 s1  }
0x4c: {  	[bflag:$0x3] =	sbarrier.arrive $0xFFFF  }
0x4d: {  	_ =	shalt  }

</sc_bundles>
